<compile_context>
chip_gen: v7x
topology: tpu7x:2x2x1
jax: 0.10.2.dev20260603
libtpu: 0.0.44.dev20260713+nightly
codegen_flags: <defaults>
</compile_context>

<pallas_src>
import jax
import jax.numpy as jnp
from jax import lax
from jax.experimental import pallas as pl
from jax.experimental.pallas import tpu as pltpu
from jax.experimental.pallas import tpu_sc as plsc

N = 4096
RS = 1024
NC = 2
NS = 16
NW = NC * NS
RW = RS // NW
GR = 8
BM = 256


def _sc_body(q_hbm, at_hbm, x_hbm, y_hbm, out_hbm, xv, yv, qbuf, abuf,
             accbuf, sem):
    wid = lax.axis_index("s") * NC + lax.axis_index("c")
    base = wid * RW
    pltpu.sync_copy(x_hbm, xv)
    pltpu.sync_copy(y_hbm, yv)

    def row_chunks(buf, vec, rr):
        def chunk(j, acc):
            sl = pl.ds(j * 16, 16)
            return acc + buf[rr, sl] * vec[sl]
        return lax.fori_loop(0, N // 16, chunk,
                             jnp.zeros((16,), jnp.float32), unroll=8)

    def group(g, carry):
        rb = base + g * GR
        cq = pltpu.async_copy(q_hbm.at[pl.ds(rb, GR)], qbuf, sem)
        ca = pltpu.async_copy(at_hbm.at[pl.ds(rb, GR)], abuf, sem)
        cq.wait()
        ca.wait()

        def row(rr, c2):
            accbuf[g * GR + rr, :] = (row_chunks(qbuf, xv, rr)
                                      + row_chunks(abuf, yv, rr))
            return c2

        return lax.fori_loop(0, GR, row, carry)

    lax.fori_loop(0, RW // GR, group, jnp.int32(0))
    pltpu.sync_copy(accbuf, out_hbm.at[pl.ds(base, RW)])


def _tc_body(q_ref, at_ref, xt_ref, yt_ref, c_ref, cfull_ref, gmax_ref,
             mc_ref):
    i = pl.program_id(0)
    qx = jnp.sum(q_ref[...] * xt_ref[...], axis=1, keepdims=True)
    aty = jnp.sum(at_ref[...] * yt_ref[...], axis=1, keepdims=True)
    pg = qx + aty + c_ref[...]
    m = jnp.max(jnp.abs(pg))

    @pl.when(i == 0)
    def _init():
        gmax_ref[0, 0] = m
        mc_ref[0, 0] = jnp.max(jnp.abs(cfull_ref[...]))

    @pl.when(i > 0)
    def _acc():
        gmax_ref[0, 0] = jnp.maximum(gmax_ref[0, 0], m)


def _combine_body(p_ref, ch_ref, gmax_ref, mc_ref, out_ref):
    pg = jnp.sum(p_ref[...], axis=1, keepdims=True) + ch_ref[...]
    m = jnp.maximum(jnp.max(jnp.abs(pg)), gmax_ref[0, 0])
    out_ref[0, 0] = m / (1.0 + mc_ref[0, 0])


def kernel(Q, AT, b, c, x, y, Iy, il, iu, l, u):
    xf = x.reshape(N)
    yf = y.reshape(N)
    c2 = c.reshape(N, 1)
    mesh = plsc.VectorSubcoreMesh(core_axis_name="c", subcore_axis_name="s")
    partials = pl.kernel(
        _sc_body,
        out_type=jax.ShapeDtypeStruct((RS, 16), jnp.float32),
        mesh=mesh,
        scratch_types=[
            pltpu.VMEM((N,), jnp.float32),
            pltpu.VMEM((N,), jnp.float32),
            pltpu.VMEM((GR, N), jnp.float32),
            pltpu.VMEM((GR, N), jnp.float32),
            pltpu.VMEM((RW, 16), jnp.float32),
            pltpu.SemaphoreType.DMA,
        ],
    )(Q, AT, xf, yf)
    grid = (N - RS) // BM
    gmax, mc = pl.pallas_call(
        _tc_body,
        grid=(grid,),
        in_specs=[
            pl.BlockSpec((BM, N), lambda i: (i + RS // BM, 0)),
            pl.BlockSpec((BM, N), lambda i: (i + RS // BM, 0)),
            pl.BlockSpec((1, N), lambda i: (0, 0)),
            pl.BlockSpec((1, N), lambda i: (0, 0)),
            pl.BlockSpec((BM, 1), lambda i: (i + RS // BM, 0)),
            pl.BlockSpec((N, 1), lambda i: (0, 0)),
        ],
        out_specs=[
            pl.BlockSpec(memory_space=pltpu.SMEM),
            pl.BlockSpec(memory_space=pltpu.SMEM),
        ],
        out_shape=[
            jax.ShapeDtypeStruct((1, 1), jnp.float32),
            jax.ShapeDtypeStruct((1, 1), jnp.float32),
        ],
    )(Q, AT, xf.reshape(1, N), yf.reshape(1, N), c2, c2)
    out = pl.pallas_call(
        _combine_body,
        in_specs=[
            pl.BlockSpec((RS, 16), lambda: (0, 0)),
            pl.BlockSpec((RS, 1), lambda: (0, 0)),
            pl.BlockSpec(memory_space=pltpu.SMEM),
            pl.BlockSpec(memory_space=pltpu.SMEM),
        ],
        out_specs=pl.BlockSpec(memory_space=pltpu.SMEM),
        out_shape=jax.ShapeDtypeStruct((1, 1), jnp.float32),
    )(partials, c2[:RS], gmax, mc)
    return out[0, 0]

# --- scband reference (transcript-rebuilt; emitter-appended) ---
"""Pipeline reference for scband-r-dual-3582002725333 (READ-ONLY COPY).

The authoritative reference and input builder live on the scoring server;
editing this copy changes nothing except your own understanding.
"""

import jax, jax.numpy as jnp
import numpy as np

N = 4096

def setup_inputs(seed: int = 0) -> dict:
    key = jax.random.key(seed)
    ks = jax.random.split(key, 11)
    return {
        "Q": jax.random.normal(ks[0], (N, N), dtype=jnp.float32),
        "AT": jax.random.normal(ks[1], (N, N), dtype=jnp.float32),
        "b": jax.random.normal(ks[2], (N, 1), dtype=jnp.float32),
        "c": jax.random.normal(ks[3], (N,), dtype=jnp.float32),
        "x": jax.random.normal(ks[4], (N, 1), dtype=jnp.float32),
        "y": jax.random.normal(ks[5], (N, 1), dtype=jnp.float32),
        "Iy": jax.random.uniform(ks[6], (N, 1), dtype=jnp.float32),
        "il": jax.random.uniform(ks[7], (N, 1), dtype=jnp.float32),
        "iu": jax.random.uniform(ks[8], (N, 1), dtype=jnp.float32),
        "l": jax.random.normal(ks[9], (N, 1), dtype=jnp.float32),
        "u": jax.random.normal(ks[10], (N, 1), dtype=jnp.float32),
    }


def reference(Q, AT, b, c, x, y, Iy, il, iu, l, u):
    # Qx = torch.sparse.mm(Q, x); represented densely here (same math)
    Qx = Q @ x
    ATy = AT @ y
    primal_grad = Qx + ATy + c[:, None]
    top_part = jnp.max(jnp.abs(primal_grad))
    bot_part = 1.0 + jnp.max(jnp.abs(c))
    return top_part / bot_part

if __name__ == "__main__":
    import jax
    _d = setup_inputs()
    print(jax.jit(kernel)(*tuple(_d.values())))

</pallas_src>

<mosaic_0001>
#map = affine_map<(d0, d1) -> (0, 0)>
#map1 = affine_map<(d0, d1) -> (0)>
module attributes {stable_mosaic.version = 14 : i64} {
  func.func @_sc_body(%arg0: i32, %arg1: i32, %arg2: memref<4096x4096xf32, #tpu.memory_space<hbm>>, %arg3: memref<4096x4096xf32, #tpu.memory_space<hbm>>, %arg4: memref<4096xf32, #tpu.memory_space<hbm>>, %arg5: memref<4096xf32, #tpu.memory_space<hbm>>, %arg6: memref<1024x16xf32, #tpu.memory_space<hbm>>, %arg7: memref<4096xf32, #tpu.memory_space<vmem>>, %arg8: memref<4096xf32, #tpu.memory_space<vmem>>, %arg9: memref<8x4096xf32, #tpu.memory_space<vmem>>, %arg10: memref<8x4096xf32, #tpu.memory_space<vmem>>, %arg11: memref<32x16xf32, #tpu.memory_space<vmem>>, %arg12: memref<!tpu.dma_semaphore, #tpu.memory_space<semaphore_mem>>) attributes {dimension_semantics = [#tpu.dimension_semantics<core_parallel>, #tpu.dimension_semantics<subcore_parallel>], iteration_bounds = array<i64: 2, 16>, scalar_prefetch = 0 : i64, scratch_operands = 6 : i64, tpu.core_type = #tpu.core_type<sc_vector_subcore>, window_params = [{transform_indices = #map}, {transform_indices = #map}, {transform_indices = #map1}, {transform_indices = #map1}, {transform_indices = #map}]} {
    %mul3A = arith.constant 2 : i32
    %mul3A_0 = arith.muli %arg1, %mul3A : i32
    %add3A = arith.addi %mul3A_0, %arg0 : i32
    %mul3A_1 = arith.constant 32 : i32
    %mul3A_2 = arith.muli %add3A, %mul3A_1 : i32
    "tpu.region"() ({
      %run_scoped3A = tpu.sem_alloc : memref<!tpu.dma_semaphore, #tpu.memory_space<semaphore_mem>>
      tpu.enqueue_dma source(%arg4 : memref<4096xf32, #tpu.memory_space<hbm>>) target(%arg7 : memref<4096xf32, #tpu.memory_space<vmem>>) target_semaphore(%run_scoped3A : memref<!tpu.dma_semaphore, #tpu.memory_space<semaphore_mem>>)
      tpu.wait_dma2 semaphore(%run_scoped3A : memref<!tpu.dma_semaphore, #tpu.memory_space<semaphore_mem>>) src(%arg4 : memref<4096xf32, #tpu.memory_space<hbm>>) dst(%arg7 : memref<4096xf32, #tpu.memory_space<vmem>>)
      tpu.yield
    }) : () -> ()
    "tpu.region"() ({
      %run_scoped3A = tpu.sem_alloc : memref<!tpu.dma_semaphore, #tpu.memory_space<semaphore_mem>>
      tpu.enqueue_dma source(%arg5 : memref<4096xf32, #tpu.memory_space<hbm>>) target(%arg8 : memref<4096xf32, #tpu.memory_space<vmem>>) target_semaphore(%run_scoped3A : memref<!tpu.dma_semaphore, #tpu.memory_space<semaphore_mem>>)
      tpu.wait_dma2 semaphore(%run_scoped3A : memref<!tpu.dma_semaphore, #tpu.memory_space<semaphore_mem>>) src(%arg5 : memref<4096xf32, #tpu.memory_space<hbm>>) dst(%arg8 : memref<4096xf32, #tpu.memory_space<vmem>>)
      tpu.yield
    }) : () -> ()
    %scan3A = arith.constant 0 : i32
    %scan3A_3 = arith.constant 0 : i32
    %scan3A_4 = arith.constant 4 : i32
    %scan3A_5 = arith.addi %scan3A_3, %scan3A_4 : i32
    %scan3A_6 = arith.constant 1 : i32
    scf.for %scan3A_8 = %scan3A_3 to %scan3A_5 step %scan3A_6  : i32 {
      %mul3A_9 = arith.constant 8 : i32
      %mul3A_10 = arith.muli %scan3A_8, %mul3A_9 : i32
      %add3A_11 = arith.addi %mul3A_2, %mul3A_10 : i32
      %dma_start3A = arith.constant 0 : i32
      %dma_start3A_12 = tpu.memref_slice %arg2[%add3A_11, %dma_start3A] : memref<4096x4096xf32, #tpu.memory_space<hbm>> -> memref<8x4096xf32, #tpu.memory_space<hbm>>
      %dma_start3A_13 = arith.constant 0 : i32
      %dma_start3A_14 = tpu.memref_slice %arg2[%add3A_11, %dma_start3A_13] : memref<4096x4096xf32, #tpu.memory_space<hbm>> -> memref<8x4096xf32, #tpu.memory_space<hbm>>
      tpu.enqueue_dma source(%dma_start3A_14 : memref<8x4096xf32, #tpu.memory_space<hbm>>) target(%arg9 : memref<8x4096xf32, #tpu.memory_space<vmem>>) target_semaphore(%arg12 : memref<!tpu.dma_semaphore, #tpu.memory_space<semaphore_mem>>)
      %dma_start3A_15 = arith.constant 0 : i32
      %dma_start3A_16 = tpu.memref_slice %arg3[%add3A_11, %dma_start3A_15] : memref<4096x4096xf32, #tpu.memory_space<hbm>> -> memref<8x4096xf32, #tpu.memory_space<hbm>>
      %dma_start3A_17 = arith.constant 0 : i32
      %dma_start3A_18 = tpu.memref_slice %arg3[%add3A_11, %dma_start3A_17] : memref<4096x4096xf32, #tpu.memory_space<hbm>> -> memref<8x4096xf32, #tpu.memory_space<hbm>>
      tpu.enqueue_dma source(%dma_start3A_18 : memref<8x4096xf32, #tpu.memory_space<hbm>>) target(%arg10 : memref<8x4096xf32, #tpu.memory_space<vmem>>) target_semaphore(%arg12 : memref<!tpu.dma_semaphore, #tpu.memory_space<semaphore_mem>>)
      %dma_wait3A = arith.constant 0 : i32
      %dma_wait3A_19 = tpu.memref_slice %arg2[%add3A_11, %dma_wait3A] : memref<4096x4096xf32, #tpu.memory_space<hbm>> -> memref<8x4096xf32, #tpu.memory_space<hbm>>
      %dma_wait3A_20 = arith.constant 0 : i32
      %dma_wait3A_21 = tpu.memref_slice %arg2[%add3A_11, %dma_wait3A_20] : memref<4096x4096xf32, #tpu.memory_space<hbm>> -> memref<8x4096xf32, #tpu.memory_space<hbm>>
      tpu.wait_dma2 semaphore(%arg12 : memref<!tpu.dma_semaphore, #tpu.memory_space<semaphore_mem>>) src(%dma_wait3A_21 : memref<8x4096xf32, #tpu.memory_space<hbm>>) dst(%arg9 : memref<8x4096xf32, #tpu.memory_space<vmem>>)
      %dma_wait3A_22 = arith.constant 0 : i32
      %dma_wait3A_23 = tpu.memref_slice %arg3[%add3A_11, %dma_wait3A_22] : memref<4096x4096xf32, #tpu.memory_space<hbm>> -> memref<8x4096xf32, #tpu.memory_space<hbm>>
      %dma_wait3A_24 = arith.constant 0 : i32
      %dma_wait3A_25 = tpu.memref_slice %arg3[%add3A_11, %dma_wait3A_24] : memref<4096x4096xf32, #tpu.memory_space<hbm>> -> memref<8x4096xf32, #tpu.memory_space<hbm>>
      tpu.wait_dma2 semaphore(%arg12 : memref<!tpu.dma_semaphore, #tpu.memory_space<semaphore_mem>>) src(%dma_wait3A_25 : memref<8x4096xf32, #tpu.memory_space<hbm>>) dst(%arg10 : memref<8x4096xf32, #tpu.memory_space<vmem>>)
      %scan3A_26 = arith.constant 0 : i32
      %scan3A_27 = arith.constant 8 : i32
      %scan3A_28 = arith.addi %scan3A_26, %scan3A_27 : i32
      %scan3A_29 = arith.constant 1 : i32
      scf.for %scan3A_31 = %scan3A_26 to %scan3A_28 step %scan3A_29  : i32 {
        %broadcast_in_dim3A = arith.constant 0.000000e+00 : f32
        %broadcast_in_dim3A_32 = vector.broadcast %broadcast_in_dim3A : f32 to vector<16xf32>
        %scan3A_33 = arith.constant 0 : i32
        %scan3A_34 = arith.constant 256 : i32
        %scan3A_35 = arith.addi %scan3A_33, %scan3A_34 : i32
        %scan3A_36 = arith.constant 8 : i32
        %scan3A_37 = scf.for %scan3A_55 = %scan3A_33 to %scan3A_35 step %scan3A_36 iter_args(%scan3A_56 = %broadcast_in_dim3A_32) -> (vector<16xf32>)  : i32 {
          %mul3A_57 = arith.constant 16 : i32
          %mul3A_58 = arith.muli %scan3A_55, %mul3A_57 : i32
          %get3A = arith.index_cast %scan3A_31 : i32 to index
          %get3A_59 = arith.index_cast %mul3A_58 : i32 to index
          %get3A_60 = tpu.vector_load %arg9[%get3A, %get3A_59] {strides = array<i32>} : memref<8x4096xf32, #tpu.memory_space<vmem>>, vector<1x16xf32>,
          %get3A_61 = vector.shape_cast %get3A_60 : vector<1x16xf32> to vector<16xf32>
          %get3A_62 = arith.index_cast %mul3A_58 : i32 to index
          %get3A_63 = tpu.vector_load %arg7[%get3A_62] {strides = array<i32>} : memref<4096xf32, #tpu.memory_space<vmem>>, vector<16xf32>,
          %get3A_64 = vector.shape_cast %get3A_63 : vector<16xf32> to vector<16xf32>
          %mul3A_65 = arith.mulf %get3A_61, %get3A_64 : vector<16xf32>
          %add3A_66 = arith.addf %scan3A_56, %mul3A_65 : vector<16xf32>
          %scan3A_67 = arith.constant 1 : i32
          %scan3A_68 = arith.addi %scan3A_55, %scan3A_67 : i32
          %mul3A_69 = arith.constant 16 : i32
          %mul3A_70 = arith.muli %scan3A_68, %mul3A_69 : i32
          %get3A_71 = arith.index_cast %scan3A_31 : i32 to index
          %get3A_72 = arith.index_cast %mul3A_70 : i32 to index
          %get3A_73 = tpu.vector_load %arg9[%get3A_71, %get3A_72] {strides = array<i32>} : memref<8x4096xf32, #tpu.memory_space<vmem>>, vector<1x16xf32>,
          %get3A_74 = vector.shape_cast %get3A_73 : vector<1x16xf32> to vector<16xf32>
          %get3A_75 = arith.index_cast %mul3A_70 : i32 to index
          %get3A_76 = tpu.vector_load %arg7[%get3A_75] {strides = array<i32>} : memref<4096xf32, #tpu.memory_space<vmem>>, vector<16xf32>,
          %get3A_77 = vector.shape_cast %get3A_76 : vector<16xf32> to vector<16xf32>
          %mul3A_78 = arith.mulf %get3A_74, %get3A_77 : vector<16xf32>
          %add3A_79 = arith.addf %add3A_66, %mul3A_78 : vector<16xf32>
          %scan3A_80 = arith.constant 2 : i32
          %scan3A_81 = arith.addi %scan3A_55, %scan3A_80 : i32
          %mul3A_82 = arith.constant 16 : i32
          %mul3A_83 = arith.muli %scan3A_81, %mul3A_82 : i32
          %get3A_84 = arith.index_cast %scan3A_31 : i32 to index
          %get3A_85 = arith.index_cast %mul3A_83 : i32 to index
          %get3A_86 = tpu.vector_load %arg9[%get3A_84, %get3A_85] {strides = array<i32>} : memref<8x4096xf32, #tpu.memory_space<vmem>>, vector<1x16xf32>,
          %get3A_87 = vector.shape_cast %get3A_86 : vector<1x16xf32> to vector<16xf32>
          %get3A_88 = arith.index_cast %mul3A_83 : i32 to index
          %get3A_89 = tpu.vector_load %arg7[%get3A_88] {strides = array<i32>} : memref<4096xf32, #tpu.memory_space<vmem>>, vector<16xf32>,
          %get3A_90 = vector.shape_cast %get3A_89 : vector<16xf32> to vector<16xf32>
          %mul3A_91 = arith.mulf %get3A_87, %get3A_90 : vector<16xf32>
          %add3A_92 = arith.addf %add3A_79, %mul3A_91 : vector<16xf32>
          %scan3A_93 = arith.constant 3 : i32
          %scan3A_94 = arith.addi %scan3A_55, %scan3A_93 : i32
          %mul3A_95 = arith.constant 16 : i32
          %mul3A_96 = arith.muli %scan3A_94, %mul3A_95 : i32
          %get3A_97 = arith.index_cast %scan3A_31 : i32 to index
          %get3A_98 = arith.index_cast %mul3A_96 : i32 to index
          %get3A_99 = tpu.vector_load %arg9[%get3A_97, %get3A_98] {strides = array<i32>} : memref<8x4096xf32, #tpu.memory_space<vmem>>, vector<1x16xf32>,
          %get3A_100 = vector.shape_cast %get3A_99 : vector<1x16xf32> to vector<16xf32>
          %get3A_101 = arith.index_cast %mul3A_96 : i32 to index
          %get3A_102 = tpu.vector_load %arg7[%get3A_101] {strides = array<i32>} : memref<4096xf32, #tpu.memory_space<vmem>>, vector<16xf32>,
          %get3A_103 = vector.shape_cast %get3A_102 : vector<16xf32> to vector<16xf32>
          %mul3A_104 = arith.mulf %get3A_100, %get3A_103 : vector<16xf32>
          %add3A_105 = arith.addf %add3A_92, %mul3A_104 : vector<16xf32>
          %scan3A_106 = arith.constant 4 : i32
          %scan3A_107 = arith.addi %scan3A_55, %scan3A_106 : i32
          %mul3A_108 = arith.constant 16 : i32
          %mul3A_109 = arith.muli %scan3A_107, %mul3A_108 : i32
          %get3A_110 = arith.index_cast %scan3A_31 : i32 to index
          %get3A_111 = arith.index_cast %mul3A_109 : i32 to index
          %get3A_112 = tpu.vector_load %arg9[%get3A_110, %get3A_111] {strides = array<i32>} : memref<8x4096xf32, #tpu.memory_space<vmem>>, vector<1x16xf32>,
          %get3A_113 = vector.shape_cast %get3A_112 : vector<1x16xf32> to vector<16xf32>
          %get3A_114 = arith.index_cast %mul3A_109 : i32 to index
          %get3A_115 = tpu.vector_load %arg7[%get3A_114] {strides = array<i32>} : memref<4096xf32, #tpu.memory_space<vmem>>, vector<16xf32>,
          %get3A_116 = vector.shape_cast %get3A_115 : vector<16xf32> to vector<16xf32>
          %mul3A_117 = arith.mulf %get3A_113, %get3A_116 : vector<16xf32>
          %add3A_118 = arith.addf %add3A_105, %mul3A_117 : vector<16xf32>
          %scan3A_119 = arith.constant 5 : i32
          %scan3A_120 = arith.addi %scan3A_55, %scan3A_119 : i32
          %mul3A_121 = arith.constant 16 : i32
          %mul3A_122 = arith.muli %scan3A_120, %mul3A_121 : i32
          %get3A_123 = arith.index_cast %scan3A_31 : i32 to index
          %get3A_124 = arith.index_cast %mul3A_122 : i32 to index
          %get3A_125 = tpu.vector_load %arg9[%get3A_123, %get3A_124] {strides = array<i32>} : memref<8x4096xf32, #tpu.memory_space<vmem>>, vector<1x16xf32>,
          %get3A_126 = vector.shape_cast %get3A_125 : vector<1x16xf32> to vector<16xf32>
          %get3A_127 = arith.index_cast %mul3A_122 : i32 to index
          %get3A_128 = tpu.vector_load %arg7[%get3A_127] {strides = array<i32>} : memref<4096xf32, #tpu.memory_space<vmem>>, vector<16xf32>,
          %get3A_129 = vector.shape_cast %get3A_128 : vector<16xf32> to vector<16xf32>
          %mul3A_130 = arith.mulf %get3A_126, %get3A_129 : vector<16xf32>
          %add3A_131 = arith.addf %add3A_118, %mul3A_130 : vector<16xf32>
          %scan3A_132 = arith.constant 6 : i32
          %scan3A_133 = arith.addi %scan3A_55, %scan3A_132 : i32
          %mul3A_134 = arith.constant 16 : i32
          %mul3A_135 = arith.muli %scan3A_133, %mul3A_134 : i32
          %get3A_136 = arith.index_cast %scan3A_31 : i32 to index
          %get3A_137 = arith.index_cast %mul3A_135 : i32 to index
          %get3A_138 = tpu.vector_load %arg9[%get3A_136, %get3A_137] {strides = array<i32>} : memref<8x4096xf32, #tpu.memory_space<vmem>>, vector<1x16xf32>,
          %get3A_139 = vector.shape_cast %get3A_138 : vector<1x16xf32> to vector<16xf32>
          %get3A_140 = arith.index_cast %mul3A_135 : i32 to index
          %get3A_141 = tpu.vector_load %arg7[%get3A_140] {strides = array<i32>} : memref<4096xf32, #tpu.memory_space<vmem>>, vector<16xf32>,
          %get3A_142 = vector.shape_cast %get3A_141 : vector<16xf32> to vector<16xf32>
          %mul3A_143 = arith.mulf %get3A_139, %get3A_142 : vector<16xf32>
          %add3A_144 = arith.addf %add3A_131, %mul3A_143 : vector<16xf32>
          %scan3A_145 = arith.constant 7 : i32
          %scan3A_146 = arith.addi %scan3A_55, %scan3A_145 : i32
          %mul3A_147 = arith.constant 16 : i32
          %mul3A_148 = arith.muli %scan3A_146, %mul3A_147 : i32
          %get3A_149 = arith.index_cast %scan3A_31 : i32 to index
          %get3A_150 = arith.index_cast %mul3A_148 : i32 to index
          %get3A_151 = tpu.vector_load %arg9[%get3A_149, %get3A_150] {strides = array<i32>} : memref<8x4096xf32, #tpu.memory_space<vmem>>, vector<1x16xf32>,
          %get3A_152 = vector.shape_cast %get3A_151 : vector<1x16xf32> to vector<16xf32>
          %get3A_153 = arith.index_cast %mul3A_148 : i32 to index
          %get3A_154 = tpu.vector_load %arg7[%get3A_153] {strides = array<i32>} : memref<4096xf32, #tpu.memory_space<vmem>>, vector<16xf32>,
          %get3A_155 = vector.shape_cast %get3A_154 : vector<16xf32> to vector<16xf32>
          %mul3A_156 = arith.mulf %get3A_152, %get3A_155 : vector<16xf32>
          %add3A_157 = arith.addf %add3A_144, %mul3A_156 : vector<16xf32>
          scf.yield %add3A_157 : vector<16xf32>
        }
        %scan3A_38 = arith.constant 256 : i32
        %broadcast_in_dim3A_39 = arith.constant 0.000000e+00 : f32
        %broadcast_in_dim3A_40 = vector.broadcast %broadcast_in_dim3A_39 : f32 to vector<16xf32>
        %scan3A_41 = arith.constant 0 : i32
        %scan3A_42 = arith.constant 256 : i32
        %scan3A_43 = arith.addi %scan3A_41, %scan3A_42 : i32
        %scan3A_44 = arith.constant 8 : i32
        %scan3A_45 = scf.for %scan3A_55 = %scan3A_41 to %scan3A_43 step %scan3A_44 iter_args(%scan3A_56 = %broadcast_in_dim3A_40) -> (vector<16xf32>)  : i32 {
          %mul3A_57 = arith.constant 16 : i32
          %mul3A_58 = arith.muli %scan3A_55, %mul3A_57 : i32
          %get3A = arith.index_cast %scan3A_31 : i32 to index
          %get3A_59 = arith.index_cast %mul3A_58 : i32 to index
          %get3A_60 = tpu.vector_load %arg10[%get3A, %get3A_59] {strides = array<i32>} : memref<8x4096xf32, #tpu.memory_space<vmem>>, vector<1x16xf32>,
          %get3A_61 = vector.shape_cast %get3A_60 : vector<1x16xf32> to vector<16xf32>
          %get3A_62 = arith.index_cast %mul3A_58 : i32 to index
          %get3A_63 = tpu.vector_load %arg8[%get3A_62] {strides = array<i32>} : memref<4096xf32, #tpu.memory_space<vmem>>, vector<16xf32>,
          %get3A_64 = vector.shape_cast %get3A_63 : vector<16xf32> to vector<16xf32>
          %mul3A_65 = arith.mulf %get3A_61, %get3A_64 : vector<16xf32>
          %add3A_66 = arith.addf %scan3A_56, %mul3A_65 : vector<16xf32>
          %scan3A_67 = arith.constant 1 : i32
          %scan3A_68 = arith.addi %scan3A_55, %scan3A_67 : i32
          %mul3A_69 = arith.constant 16 : i32
          %mul3A_70 = arith.muli %scan3A_68, %mul3A_69 : i32
          %get3A_71 = arith.index_cast %scan3A_31 : i32 to index
          %get3A_72 = arith.index_cast %mul3A_70 : i32 to index
          %get3A_73 = tpu.vector_load %arg10[%get3A_71, %get3A_72] {strides = array<i32>} : memref<8x4096xf32, #tpu.memory_space<vmem>>, vector<1x16xf32>,
          %get3A_74 = vector.shape_cast %get3A_73 : vector<1x16xf32> to vector<16xf32>
          %get3A_75 = arith.index_cast %mul3A_70 : i32 to index
          %get3A_76 = tpu.vector_load %arg8[%get3A_75] {strides = array<i32>} : memref<4096xf32, #tpu.memory_space<vmem>>, vector<16xf32>,
          %get3A_77 = vector.shape_cast %get3A_76 : vector<16xf32> to vector<16xf32>
          %mul3A_78 = arith.mulf %get3A_74, %get3A_77 : vector<16xf32>
          %add3A_79 = arith.addf %add3A_66, %mul3A_78 : vector<16xf32>
          %scan3A_80 = arith.constant 2 : i32
          %scan3A_81 = arith.addi %scan3A_55, %scan3A_80 : i32
          %mul3A_82 = arith.constant 16 : i32
          %mul3A_83 = arith.muli %scan3A_81, %mul3A_82 : i32
          %get3A_84 = arith.index_cast %scan3A_31 : i32 to index
          %get3A_85 = arith.index_cast %mul3A_83 : i32 to index
          %get3A_86 = tpu.vector_load %arg10[%get3A_84, %get3A_85] {strides = array<i32>} : memref<8x4096xf32, #tpu.memory_space<vmem>>, vector<1x16xf32>,
          %get3A_87 = vector.shape_cast %get3A_86 : vector<1x16xf32> to vector<16xf32>
          %get3A_88 = arith.index_cast %mul3A_83 : i32 to index
          %get3A_89 = tpu.vector_load %arg8[%get3A_88] {strides = array<i32>} : memref<4096xf32, #tpu.memory_space<vmem>>, vector<16xf32>,
          %get3A_90 = vector.shape_cast %get3A_89 : vector<16xf32> to vector<16xf32>
          %mul3A_91 = arith.mulf %get3A_87, %get3A_90 : vector<16xf32>
          %add3A_92 = arith.addf %add3A_79, %mul3A_91 : vector<16xf32>
          %scan3A_93 = arith.constant 3 : i32
          %scan3A_94 = arith.addi %scan3A_55, %scan3A_93 : i32
          %mul3A_95 = arith.constant 16 : i32
          %mul3A_96 = arith.muli %scan3A_94, %mul3A_95 : i32
          %get3A_97 = arith.index_cast %scan3A_31 : i32 to index
          %get3A_98 = arith.index_cast %mul3A_96 : i32 to index
          %get3A_99 = tpu.vector_load %arg10[%get3A_97, %get3A_98] {strides = array<i32>} : memref<8x4096xf32, #tpu.memory_space<vmem>>, vector<1x16xf32>,
          %get3A_100 = vector.shape_cast %get3A_99 : vector<1x16xf32> to vector<16xf32>
          %get3A_101 = arith.index_cast %mul3A_96 : i32 to index
          %get3A_102 = tpu.vector_load %arg8[%get3A_101] {strides = array<i32>} : memref<4096xf32, #tpu.memory_space<vmem>>, vector<16xf32>,
          %get3A_103 = vector.shape_cast %get3A_102 : vector<16xf32> to vector<16xf32>
          %mul3A_104 = arith.mulf %get3A_100, %get3A_103 : vector<16xf32>
          %add3A_105 = arith.addf %add3A_92, %mul3A_104 : vector<16xf32>
          %scan3A_106 = arith.constant 4 : i32
          %scan3A_107 = arith.addi %scan3A_55, %scan3A_106 : i32
          %mul3A_108 = arith.constant 16 : i32
          %mul3A_109 = arith.muli %scan3A_107, %mul3A_108 : i32
          %get3A_110 = arith.index_cast %scan3A_31 : i32 to index
          %get3A_111 = arith.index_cast %mul3A_109 : i32 to index
          %get3A_112 = tpu.vector_load %arg10[%get3A_110, %get3A_111] {strides = array<i32>} : memref<8x4096xf32, #tpu.memory_space<vmem>>, vector<1x16xf32>,
          %get3A_113 = vector.shape_cast %get3A_112 : vector<1x16xf32> to vector<16xf32>
          %get3A_114 = arith.index_cast %mul3A_109 : i32 to index
          %get3A_115 = tpu.vector_load %arg8[%get3A_114] {strides = array<i32>} : memref<4096xf32, #tpu.memory_space<vmem>>, vector<16xf32>,
          %get3A_116 = vector.shape_cast %get3A_115 : vector<16xf32> to vector<16xf32>
          %mul3A_117 = arith.mulf %get3A_113, %get3A_116 : vector<16xf32>
          %add3A_118 = arith.addf %add3A_105, %mul3A_117 : vector<16xf32>
          %scan3A_119 = arith.constant 5 : i32
          %scan3A_120 = arith.addi %scan3A_55, %scan3A_119 : i32
          %mul3A_121 = arith.constant 16 : i32
          %mul3A_122 = arith.muli %scan3A_120, %mul3A_121 : i32
          %get3A_123 = arith.index_cast %scan3A_31 : i32 to index
          %get3A_124 = arith.index_cast %mul3A_122 : i32 to index
          %get3A_125 = tpu.vector_load %arg10[%get3A_123, %get3A_124] {strides = array<i32>} : memref<8x4096xf32, #tpu.memory_space<vmem>>, vector<1x16xf32>,
          %get3A_126 = vector.shape_cast %get3A_125 : vector<1x16xf32> to vector<16xf32>
          %get3A_127 = arith.index_cast %mul3A_122 : i32 to index
          %get3A_128 = tpu.vector_load %arg8[%get3A_127] {strides = array<i32>} : memref<4096xf32, #tpu.memory_space<vmem>>, vector<16xf32>,
          %get3A_129 = vector.shape_cast %get3A_128 : vector<16xf32> to vector<16xf32>
          %mul3A_130 = arith.mulf %get3A_126, %get3A_129 : vector<16xf32>
          %add3A_131 = arith.addf %add3A_118, %mul3A_130 : vector<16xf32>
          %scan3A_132 = arith.constant 6 : i32
          %scan3A_133 = arith.addi %scan3A_55, %scan3A_132 : i32
          %mul3A_134 = arith.constant 16 : i32
          %mul3A_135 = arith.muli %scan3A_133, %mul3A_134 : i32
          %get3A_136 = arith.index_cast %scan3A_31 : i32 to index
          %get3A_137 = arith.index_cast %mul3A_135 : i32 to index
          %get3A_138 = tpu.vector_load %arg10[%get3A_136, %get3A_137] {strides = array<i32>} : memref<8x4096xf32, #tpu.memory_space<vmem>>, vector<1x16xf32>,
          %get3A_139 = vector.shape_cast %get3A_138 : vector<1x16xf32> to vector<16xf32>
          %get3A_140 = arith.index_cast %mul3A_135 : i32 to index
          %get3A_141 = tpu.vector_load %arg8[%get3A_140] {strides = array<i32>} : memref<4096xf32, #tpu.memory_space<vmem>>, vector<16xf32>,
          %get3A_142 = vector.shape_cast %get3A_141 : vector<16xf32> to vector<16xf32>
          %mul3A_143 = arith.mulf %get3A_139, %get3A_142 : vector<16xf32>
          %add3A_144 = arith.addf %add3A_131, %mul3A_143 : vector<16xf32>
          %scan3A_145 = arith.constant 7 : i32
          %scan3A_146 = arith.addi %scan3A_55, %scan3A_145 : i32
          %mul3A_147 = arith.constant 16 : i32
          %mul3A_148 = arith.muli %scan3A_146, %mul3A_147 : i32
          %get3A_149 = arith.index_cast %scan3A_31 : i32 to index
          %get3A_150 = arith.index_cast %mul3A_148 : i32 to index
          %get3A_151 = tpu.vector_load %arg10[%get3A_149, %get3A_150] {strides = array<i32>} : memref<8x4096xf32, #tpu.memory_space<vmem>>, vector<1x16xf32>,
          %get3A_152 = vector.shape_cast %get3A_151 : vector<1x16xf32> to vector<16xf32>
          %get3A_153 = arith.index_cast %mul3A_148 : i32 to index
          %get3A_154 = tpu.vector_load %arg8[%get3A_153] {strides = array<i32>} : memref<4096xf32, #tpu.memory_space<vmem>>, vector<16xf32>,
          %get3A_155 = vector.shape_cast %get3A_154 : vector<16xf32> to vector<16xf32>
          %mul3A_156 = arith.mulf %get3A_152, %get3A_155 : vector<16xf32>
          %add3A_157 = arith.addf %add3A_144, %mul3A_156 : vector<16xf32>
          scf.yield %add3A_157 : vector<16xf32>
        }
        %scan3A_46 = arith.constant 256 : i32
        %add3A_47 = arith.addf %scan3A_37, %scan3A_45 : vector<16xf32>
        %mul3A_48 = arith.constant 8 : i32
        %mul3A_49 = arith.muli %scan3A_8, %mul3A_48 : i32
        %add3A_50 = arith.addi %mul3A_49, %scan3A_31 : i32
        %swap3A = arith.index_cast %add3A_50 : i32 to index
        %swap3A_51 = arith.constant 0 : index
        %swap3A_52 = tpu.vector_load %arg11[%swap3A, %swap3A_51] {strides = array<i32>} : memref<32x16xf32, #tpu.memory_space<vmem>>, vector<1x16xf32>,
        %swap3A_53 = vector.shape_cast %swap3A_52 : vector<1x16xf32> to vector<16xf32>
        %swap3A_54 = vector.shape_cast %add3A_47 : vector<16xf32> to vector<1x16xf32>
        tpu.vector_store %arg11[%swap3A, %swap3A_51], %swap3A_54 {strides = array<i32>} : memref<32x16xf32, #tpu.memory_space<vmem>>, vector<1x16xf32>,
      }
      %scan3A_30 = arith.constant 8 : i32
    }
    %scan3A_7 = arith.constant 4 : i32
    "tpu.region"() ({
      %run_scoped3A = tpu.sem_alloc : memref<!tpu.dma_semaphore, #tpu.memory_space<semaphore_mem>>
      %dma_start3A = arith.constant 0 : i32
      %dma_start3A_8 = tpu.memref_slice %arg6[%mul3A_2, %dma_start3A] : memref<1024x16xf32, #tpu.memory_space<hbm>> -> memref<32x16xf32, #tpu.memory_space<hbm>>
      %dma_start3A_9 = arith.constant 0 : i32
      %dma_start3A_10 = tpu.memref_slice %arg6[%mul3A_2, %dma_start3A_9] : memref<1024x16xf32, #tpu.memory_space<hbm>> -> memref<32x16xf32, #tpu.memory_space<hbm>>
      tpu.enqueue_dma source(%arg11 : memref<32x16xf32, #tpu.memory_space<vmem>>) target(%dma_start3A_10 : memref<32x16xf32, #tpu.memory_space<hbm>>) target_semaphore(%run_scoped3A : memref<!tpu.dma_semaphore, #tpu.memory_space<semaphore_mem>>)
      %dma_wait3A = arith.constant 0 : i32
      %dma_wait3A_11 = tpu.memref_slice %arg6[%mul3A_2, %dma_wait3A] : memref<1024x16xf32, #tpu.memory_space<hbm>> -> memref<32x16xf32, #tpu.memory_space<hbm>>
      %dma_wait3A_12 = arith.constant 0 : i32
      %dma_wait3A_13 = tpu.memref_slice %arg6[%mul3A_2, %dma_wait3A_12] : memref<1024x16xf32, #tpu.memory_space<hbm>> -> memref<32x16xf32, #tpu.memory_space<hbm>>
      tpu.wait_dma2 semaphore(%run_scoped3A : memref<!tpu.dma_semaphore, #tpu.memory_space<semaphore_mem>>) src(%arg11 : memref<32x16xf32, #tpu.memory_space<vmem>>) dst(%dma_wait3A_13 : memref<32x16xf32, #tpu.memory_space<hbm>>)
      tpu.yield
    }) : () -> ()
    return
  }
}

module attributes {stable_mosaic.version = 14 : i64} {
  func.func @_tc_body(%arg0: i32, %arg1: memref<256x4096xf32, #tpu.memory_space<vmem>>, %arg2: memref<256x4096xf32, #tpu.memory_space<vmem>>, %arg3: memref<1x4096xf32, #tpu.memory_space<vmem>>, %arg4: memref<1x4096xf32, #tpu.memory_space<vmem>>, %arg5: memref<256x1xf32, #tpu.memory_space<vmem>>, %arg6: memref<4096x1xf32, #tpu.memory_space<vmem>>, %arg7: memref<1x1xf32, #tpu.memory_space<smem>>, %arg8: memref<1x1xf32, #tpu.memory_space<smem>>) attributes {dimension_semantics = [#tpu.dimension_semantics<arbitrary>], iteration_bounds = array<i64: 12>, scalar_prefetch = 0 : i64, scratch_operands = 0 : i64, tpu.core_type = #tpu.core_type<tc>, window_params = [{transform_indices = @transform_0, window_bounds = array<i64: 256, 4096>}, {transform_indices = @transform_1, window_bounds = array<i64: 256, 4096>}, {pipeline_mode = #tpu.pipeline_mode<synchronous>, transform_indices = @transform_2, window_bounds = array<i64: 1, 4096>}, {pipeline_mode = #tpu.pipeline_mode<synchronous>, transform_indices = @transform_3, window_bounds = array<i64: 1, 4096>}, {transform_indices = @transform_4, window_bounds = array<i64: 256, 1>}, {pipeline_mode = #tpu.pipeline_mode<synchronous>, transform_indices = @transform_5, window_bounds = array<i64: 4096, 1>}, {transform_indices = @transform_6, window_bounds = array<i64: 1, 1>}, {transform_indices = @transform_7, window_bounds = array<i64: 1, 1>}]} {
    %get3A = arith.constant 0 : index
    %get3A_0 = arith.constant 0 : index
    %get3A_1 = vector.load %arg1[%get3A, %get3A_0] : memref<256x4096xf32, #tpu.memory_space<vmem>>, vector<256x4096xf32>
    %get3A_2 = arith.constant 0 : index
    %get3A_3 = arith.constant 0 : index
    %get3A_4 = vector.load %arg3[%get3A_2, %get3A_3] : memref<1x4096xf32, #tpu.memory_space<vmem>>, vector<1x4096xf32>
    %mul3A = vector.broadcast %get3A_4 : vector<1x4096xf32> to vector<256x4096xf32>
    %mul3A_5 = arith.mulf %get3A_1, %mul3A : vector<256x4096xf32>
    %reduce_sum3A = arith.constant dense<0.000000e+00> : vector<256xf32>
    %reduce_sum3A_6 = vector.multi_reduction <add>, %mul3A_5, %reduce_sum3A [1] : vector<256x4096xf32> to vector<256xf32>
    %broadcast_in_dim3A = vector.shape_cast %reduce_sum3A_6 : vector<256xf32> to vector<256x1xf32>
    %get3A_7 = arith.constant 0 : index
    %get3A_8 = arith.constant 0 : index
    %get3A_9 = vector.load %arg2[%get3A_7, %get3A_8] : memref<256x4096xf32, #tpu.memory_space<vmem>>, vector<256x4096xf32>
    %get3A_10 = arith.constant 0 : index
    %get3A_11 = arith.constant 0 : index
    %get3A_12 = vector.load %arg4[%get3A_10, %get3A_11] : memref<1x4096xf32, #tpu.memory_space<vmem>>, vector<1x4096xf32>
    %mul3A_13 = vector.broadcast %get3A_12 : vector<1x4096xf32> to vector<256x4096xf32>
    %mul3A_14 = arith.mulf %get3A_9, %mul3A_13 : vector<256x4096xf32>
    %reduce_sum3A_15 = arith.constant dense<0.000000e+00> : vector<256xf32>
    %reduce_sum3A_16 = vector.multi_reduction <add>, %mul3A_14, %reduce_sum3A_15 [1] : vector<256x4096xf32> to vector<256xf32>
    %broadcast_in_dim3A_17 = vector.shape_cast %reduce_sum3A_16 : vector<256xf32> to vector<256x1xf32>
    %add3A = arith.addf %broadcast_in_dim3A, %broadcast_in_dim3A_17 : vector<256x1xf32>
    %get3A_18 = arith.constant 0 : index
    %get3A_19 = arith.constant 0 : index
    %get3A_20 = vector.load %arg5[%get3A_18, %get3A_19] : memref<256x1xf32, #tpu.memory_space<vmem>>, vector<256x1xf32>
    %add3A_21 = arith.addf %add3A, %get3A_20 : vector<256x1xf32>
    %abs3A = math.absf %add3A_21 : vector<256x1xf32>
    %reduce_max3A = vector.shape_cast %abs3A : vector<256x1xf32> to vector<1x256x1xf32>
    %reduce_max3A_22 = arith.constant dense<0xFF800000> : vector<1xf32>
    %reduce_max3A_23 = vector.multi_reduction <maximumf>, %reduce_max3A, %reduce_max3A_22 [1, 2] : vector<1x256x1xf32> to vector<1xf32>
    %reduce_max3A_24 = vector.shape_cast %reduce_max3A_23 : vector<1xf32> to vector<1x1x1xf32>
    %reduce_max3A_25 = vector.extract %reduce_max3A_24[0, 0, 0] : f32 from vector<1x1x1xf32>
    %eq3A = arith.constant 0 : i32
    %eq3A_26 = arith.cmpi eq, %arg0, %eq3A : i32
    %convert_element_type3A = arith.extui %eq3A_26 : i1 to i32
    %cond3A = arith.constant 0 : i32
    %cond3A_27 = arith.cmpi ne, %convert_element_type3A, %cond3A : i32
    scf.if %cond3A_27 {
      %swap3A = arith.constant 0 : index
      %swap3A_32 = arith.constant 0 : index
      %swap3A_33 = memref.load %arg7[%swap3A, %swap3A_32] : memref<1x1xf32, #tpu.memory_space<smem>>
      memref.store %reduce_max3A_25, %arg7[%swap3A, %swap3A_32] : memref<1x1xf32, #tpu.memory_space<smem>>
      %get3A_34 = arith.constant 0 : index
      %get3A_35 = arith.constant 0 : index
      %get3A_36 = vector.load %arg6[%get3A_34, %get3A_35] : memref<4096x1xf32, #tpu.memory_space<vmem>>, vector<4096x1xf32>
      %abs3A_37 = math.absf %get3A_36 : vector<4096x1xf32>
      %reduce_max3A_38 = vector.shape_cast %abs3A_37 : vector<4096x1xf32> to vector<1x4096x1xf32>
      %reduce_max3A_39 = arith.constant dense<0xFF800000> : vector<1xf32>
      %reduce_max3A_40 = vector.multi_reduction <maximumf>, %reduce_max3A_38, %reduce_max3A_39 [1, 2] : vector<1x4096x1xf32> to vector<1xf32>
      %reduce_max3A_41 = vector.shape_cast %reduce_max3A_40 : vector<1xf32> to vector<1x1x1xf32>
      %reduce_max3A_42 = vector.extract %reduce_max3A_41[0, 0, 0] : f32 from vector<1x1x1xf32>
      %swap3A_43 = arith.constant 0 : index
      %swap3A_44 = arith.constant 0 : index
      %swap3A_45 = memref.load %arg8[%swap3A_43, %swap3A_44] : memref<1x1xf32, #tpu.memory_space<smem>>
      memref.store %reduce_max3A_42, %arg8[%swap3A_43, %swap3A_44] : memref<1x1xf32, #tpu.memory_space<smem>>
    } else {
    }
    %gt3A = arith.constant 0 : i32
    %gt3A_28 = arith.cmpi sgt, %arg0, %gt3A : i32
    %convert_element_type3A_29 = arith.extui %gt3A_28 : i1 to i32
    %cond3A_30 = arith.constant 0 : i32
    %cond3A_31 = arith.cmpi ne, %convert_element_type3A_29, %cond3A_30 : i32
    scf.if %cond3A_31 {
      %get3A_32 = arith.constant 0 : index
      %get3A_33 = arith.constant 0 : index
      %get3A_34 = memref.load %arg7[%get3A_32, %get3A_33] : memref<1x1xf32, #tpu.memory_space<smem>>
      %max3A = arith.maximumf %get3A_34, %reduce_max3A_25 : f32
      %swap3A = arith.constant 0 : index
      %swap3A_35 = arith.constant 0 : index
      %swap3A_36 = memref.load %arg7[%swap3A, %swap3A_35] : memref<1x1xf32, #tpu.memory_space<smem>>
      memref.store %max3A, %arg7[%swap3A, %swap3A_35] : memref<1x1xf32, #tpu.memory_space<smem>>
    } else {
    }
    return
  }
  func.func @transform_0(%arg0: i32) -> (i32, i32) {
    %add3A = arith.constant 4 : i32
    %add3A_0 = arith.addi %arg0, %add3A : i32
    %c0_i32 = arith.constant 0 : i32
    %c0_i32_1 = arith.constant 0 : i32
    return %add3A_0, %c0_i32 : i32, i32
  }
  func.func @transform_1(%arg0: i32) -> (i32, i32) {
    %add3A = arith.constant 4 : i32
    %add3A_0 = arith.addi %arg0, %add3A : i32
    %c0_i32 = arith.constant 0 : i32
    %c0_i32_1 = arith.constant 0 : i32
    return %add3A_0, %c0_i32 : i32, i32
  }
  func.func @transform_2(%arg0: i32) -> (i32, i32) {
    %c0_i32 = arith.constant 0 : i32
    %c0_i32_0 = arith.constant 0 : i32
    %c0_i32_1 = arith.constant 0 : i32
    return %c0_i32, %c0_i32_0 : i32, i32
  }
  func.func @transform_3(%arg0: i32) -> (i32, i32) {
    %c0_i32 = arith.constant 0 : i32
    %c0_i32_0 = arith.constant 0 : i32
    %c0_i32_1 = arith.constant 0 : i32
    return %c0_i32, %c0_i32_0 : i32, i32
  }
  func.func @transform_4(%arg0: i32) -> (i32, i32) {
    %add3A = arith.constant 4 : i32
    %add3A_0 = arith.addi %arg0, %add3A : i32
    %c0_i32 = arith.constant 0 : i32
    %c0_i32_1 = arith.constant 0 : i32
    return %add3A_0, %c0_i32 : i32, i32
  }
  func.func @transform_5(%arg0: i32) -> (i32, i32) {
    %c0_i32 = arith.constant 0 : i32
    %c0_i32_0 = arith.constant 0 : i32
    %c0_i32_1 = arith.constant 0 : i32
    return %c0_i32, %c0_i32_0 : i32, i32
  }
  func.func @transform_6(%arg0: i32) -> (i32, i32) {
    %c0_i32 = arith.constant 0 : i32
    %c0_i32_0 = arith.constant 0 : i32
    %c0_i32_1 = arith.constant 0 : i32
    return %c0_i32, %c0_i32_0 : i32, i32
  }
  func.func @transform_7(%arg0: i32) -> (i32, i32) {
    %c0_i32 = arith.constant 0 : i32
    %c0_i32_0 = arith.constant 0 : i32
    %c0_i32_1 = arith.constant 0 : i32
    return %c0_i32, %c0_i32_0 : i32, i32
  }
}

module attributes {stable_mosaic.version = 14 : i64} {
  func.func @_combine_body(%arg0: memref<1024x16xf32, #tpu.memory_space<vmem>>, %arg1: memref<1024x1xf32, #tpu.memory_space<vmem>>, %arg2: memref<1x1xf32, #tpu.memory_space<smem>>, %arg3: memref<1x1xf32, #tpu.memory_space<smem>>, %arg4: memref<1x1xf32, #tpu.memory_space<smem>>) attributes {dimension_semantics = [], scalar_prefetch = 0 : i64, scratch_operands = 0 : i64, tpu.core_type = #tpu.core_type<tc>} {
    %get3A = arith.constant 0 : index
    %get3A_0 = arith.constant 0 : index
    %get3A_1 = vector.load %arg0[%get3A, %get3A_0] : memref<1024x16xf32, #tpu.memory_space<vmem>>, vector<1024x16xf32>
    %reduce_sum3A = arith.constant dense<0.000000e+00> : vector<1024xf32>
    %reduce_sum3A_2 = vector.multi_reduction <add>, %get3A_1, %reduce_sum3A [1] : vector<1024x16xf32> to vector<1024xf32>
    %broadcast_in_dim3A = vector.shape_cast %reduce_sum3A_2 : vector<1024xf32> to vector<1024x1xf32>
    %get3A_3 = arith.constant 0 : index
    %get3A_4 = arith.constant 0 : index
    %get3A_5 = vector.load %arg1[%get3A_3, %get3A_4] : memref<1024x1xf32, #tpu.memory_space<vmem>>, vector<1024x1xf32>
    %add3A = arith.addf %broadcast_in_dim3A, %get3A_5 : vector<1024x1xf32>
    %abs3A = math.absf %add3A : vector<1024x1xf32>
    %reduce_max3A = vector.shape_cast %abs3A : vector<1024x1xf32> to vector<1x1024x1xf32>
    %reduce_max3A_6 = arith.constant dense<0xFF800000> : vector<1xf32>
    %reduce_max3A_7 = vector.multi_reduction <maximumf>, %reduce_max3A, %reduce_max3A_6 [1, 2] : vector<1x1024x1xf32> to vector<1xf32>
    %reduce_max3A_8 = vector.shape_cast %reduce_max3A_7 : vector<1xf32> to vector<1x1x1xf32>
    %reduce_max3A_9 = vector.extract %reduce_max3A_8[0, 0, 0] : f32 from vector<1x1x1xf32>
    %get3A_10 = arith.constant 0 : index
    %get3A_11 = arith.constant 0 : index
    %get3A_12 = memref.load %arg2[%get3A_10, %get3A_11] : memref<1x1xf32, #tpu.memory_space<smem>>
    %max3A = arith.maximumf %reduce_max3A_9, %get3A_12 : f32
    %get3A_13 = arith.constant 0 : index
    %get3A_14 = arith.constant 0 : index
    %get3A_15 = memref.load %arg3[%get3A_13, %get3A_14] : memref<1x1xf32, #tpu.memory_space<smem>>
    %add3A_16 = arith.constant 1.000000e+00 : f32
    %add3A_17 = arith.addf %add3A_16, %get3A_15 : f32
    %div3A = arith.divf %max3A, %add3A_17 : f32
    %swap3A = arith.constant 0 : index
    %swap3A_18 = arith.constant 0 : index
    %swap3A_19 = memref.load %arg4[%swap3A, %swap3A_18] : memref<1x1xf32, #tpu.memory_space<smem>>
    memref.store %div3A, %arg4[%swap3A, %swap3A_18] : memref<1x1xf32, #tpu.memory_space<smem>>
    return
  }
}

</mosaic_0001>

<sc_bundles>
// kernel: kernel.5.cloned.1.call-start
scs
__scs_entry_jumppad:
0x0: {  	(pc) =	sbr.rel $0x88, $3  }
0x1: {  	(tag) =	ssettag $0x0;
	lr =	simm.s32 $0x1  }
0x2: {  	[smem:$0x3F9C] =	sst lr;
	_ =	strace $0xD0000000  }
0x3: {  	_ = 	snop  }
0x4: {  	_ = 	snop  }
0x5: {  	_ = 	snop  }
0x6: {  	_ = 	snop  }
0x7: {  	_ = 	snop  }
__scs_overlays_trampoline_lowered:
0x8: {  	[smem:$0x3FAB] =	sst s0  }
0x9: {  	[smem:$0x3FAC] =	sst s1  }
0xa: {  	[smem:$0x3FAD] =	sst s2  }
0xb: {  	[smem:$0x3FAE] =	sst s3  }
0xc: {  	[smem:$0x3FAF] =	sst s4  }
0xd: {  	[smem:$0x3FB0] =	sst s5  }
0xe: {  	[smem:$0x3FB1] =	sst s6  }
0xf: {  	[smem:$0x3FB2] =	sst s7  }
0x10: {  	[smem:$0x3FB3] =	sst s8  }
0x11: {  	[smem:$0x3FB4] =	sst s9;
	s0 =	simm.s32 @!p0 $0x0  }
0x12: {  	s1 =	sld [smem:$0x3F9A];
	s0 =	simm.s32 @p0 $0x1  }
0x13: {  	[smem:$0x3FB5] =	sst s0;
	s0 =	simm.s32 @!p1 $0x0  }
0x14: {  	s2 =	sld [smem:$0x3F99];
	s0 =	simm.s32 @p1 $0x1  }
0x15: {  	[smem:$0x3FB6] =	sst s0;
	s0 =	simm.s32 @!p2 $0x0  }
0x16: {  	s3 =	sld [smem:$0x3FDB];
	s0 =	simm.s32 @p2 $0x1  }
0x17: {  	s4 =	simm.s32 $0x1BF5;
	[smem:$0x3FB8] =	sst s0  }
0x18: {  	s0 =	sld [smem:$0x3F9B];
	_ =	swait.ge [sflag:s4], $0x0  }
0x19: {  	s7 =	sld [smem:$0x3F9C]  }
0x1a: {  	s8 =	sadd.s32 $0xFFFFE003, lr  }
0x1b: {  	s9 =	sadd.s32 $0xFFFFFEF7, lr;
	s5 =	simm.s32 $0xFFFFFFFF;
	p2 =	slt.u32 s8, $0xFFFFF086  }
0x1c: {  	p1 =	slt.u32 s9, $0xF7A;
	s5 =	simm.s32 @!p2 $0x0  }
0x1d: {  	s5 =	simm.s32 @p1 $0x1;
	p0 =	seq.s32 s7, s2  }
0x1e: {  	s7 =	smul.u32 @!p0 $0xF7A, s2;
	p2 =	seq.s32 @!p0 s5, $0x0  }
0x1f: {  	s9 =	smul.u32 $0xF7A, s1;
	s8 =	simm.s32 @!p0 $0x1BF5;
	p2 =	por !p2, p0  }
0x20: {  	[sflag:s8] =	ssyncset.s32 @!p0 $0xFFFFF086;
	s6 =	sadd.s32 @!p0 s3, s7;
	s7 =	simm.s32 @!p0 $0x108  }
0x21: {  	s3 =	sadd.s32 s3, s9;
	s6 =	sadd.s32 @!p0 $0x88, s6;
	s7 =	simm.s32 @p2 $0x1082  }
0x22: {  	[simem:s7], [sflag:s8] =	dma.local @!p0 [hbm:s6], $0xF7A  }
0x23: {  	s9 =	sor.u32 $0xD0000000, s2;
	s6 =	simm.s32 $0x108;
	_ =	swait.ge @!p0 [sflag:s8], $0x0  }
0x24: {  	s3 =	sadd.s32 $0x88, s3;
	s6 =	simm.s32 @!p1 $0x1082;
	[sflag:s4] =	ssyncset.s32 $0xFFFFF086  }
0x25: {  	[simem:s6], [sflag:s4] =	dma.local [hbm:s3], $0xF7A  }
0x26: {  	[smem:$0x3F9C] =	sst s1;
	(tag) =	ssettag s2;
	_ =	strace s9  }
0x27: {  	s1 =	sld [smem:$0x3FAC]  }
0x28: {  	s2 =	sld [smem:$0x3FAD]  }
0x29: {  	s4 =	sld [smem:$0x3FAF]  }
0x2a: {  	p0 =	seq.s32 s5, $0x0;
	s5 =	sld [smem:$0x3FB0]  }
0x2b: {  	s6 =	sld [smem:$0x3FB1]  }
0x2c: {  	s7 =	sld [smem:$0x3FB2]  }
0x2d: {  	s3 =	simm.s32 $0x108;
	s8 =	sld [smem:$0x3FB3]  }
0x2e: {  	s3 =	simm.s32 @!p0 $0x1082;
	s9 =	sld [smem:$0x3FB4]  }
0x2f: {  	lr =	sadd.s32 s0, s3;
	s0 =	sld [smem:$0x3FAB]  }
0x30: {  	s3 =	sld [smem:$0x3FAE]  }
0x31: {  	[smem:$0x3FB7] =	sst s10  }
0x32: {  	s10 =	sld [smem:$0x3FB5];
	_ =	sdelay $0x3  }
0x33: {  	p0 =	seq.s32 s10, $0x1;
	s10 =	sld [smem:$0x3FB7];
	_ =	sdelay $0x3  }
0x34: {  	[smem:$0x3FB7] =	sst s10  }
0x35: {  	s10 =	sld [smem:$0x3FB6];
	_ =	sdelay $0x3  }
0x36: {  	p1 =	seq.s32 s10, $0x1;
	s10 =	sld [smem:$0x3FB7];
	_ =	sdelay $0x3  }
0x37: {  	[smem:$0x3FB7] =	sst s10  }
0x38: {  	s10 =	sld [smem:$0x3FB8]  }
0x39: {  	_ = 	snop;
	(pc) =	sbr.ind lr, $3  }
0x3a: {  	_ = 	snop  }
0x3b: {  	_ = 	snop  }
0x3c: {  	p2 =	seq.s32 s10, $0x1;
	s10 =	sld [smem:$0x3FB7]  }
0x3d: {  	_ =	shalt  }
0x3e: {  	_ =	shalt  }
0x3f: {  	_ =	shalt  }
0x40: {  	_ =	shalt  }
0x41: {  	_ =	shalt  }
0x42: {  	_ =	shalt  }
0x43: {  	_ =	shalt  }
0x44: {  	_ =	shalt  }
0x45: {  	_ =	shalt  }
0x46: {  	_ =	shalt  }
0x47: {  	_ =	shalt  }
0x48: {  	_ =	shalt  }
0x49: {  	_ =	shalt  }
0x4a: {  	_ =	shalt  }
0x4b: {  	_ =	shalt  }
0x4c: {  	_ =	shalt  }
0x4d: {  	_ =	shalt  }
0x4e: {  	_ =	shalt  }
0x4f: {  	_ =	shalt  }
0x50: {  	_ =	shalt  }
0x51: {  	_ =	shalt  }
0x52: {  	_ =	shalt  }
0x53: {  	_ =	shalt  }
0x54: {  	_ =	shalt  }
0x55: {  	_ =	shalt  }
0x56: {  	_ =	shalt  }
0x57: {  	_ =	shalt  }
0x58: {  	_ =	shalt  }
0x59: {  	_ =	shalt  }
0x5a: {  	_ =	shalt  }
0x5b: {  	_ =	shalt  }
0x5c: {  	_ =	shalt  }
0x5d: {  	_ =	shalt  }
0x5e: {  	_ =	shalt  }
0x5f: {  	_ =	shalt  }
0x60: {  	_ =	shalt  }
0x61: {  	_ =	shalt  }
0x62: {  	_ =	shalt  }
0x63: {  	_ =	shalt  }
0x64: {  	_ =	shalt  }
0x65: {  	_ =	shalt  }
0x66: {  	_ =	shalt  }
0x67: {  	_ =	shalt  }
0x68: {  	_ =	shalt  }
0x69: {  	_ =	shalt  }
0x6a: {  	_ =	shalt  }
0x6b: {  	_ =	shalt  }
0x6c: {  	_ =	shalt  }
0x6d: {  	_ =	shalt  }
0x6e: {  	_ =	shalt  }
0x6f: {  	_ =	shalt  }
0x70: {  	_ =	shalt  }
0x71: {  	_ =	shalt  }
0x72: {  	_ =	shalt  }
0x73: {  	_ =	shalt  }
0x74: {  	_ =	shalt  }
0x75: {  	_ =	shalt  }
0x76: {  	_ =	shalt  }
0x77: {  	_ =	shalt  }
0x78: {  	_ =	shalt  }
0x79: {  	_ =	shalt  }
0x7a: {  	_ =	shalt  }
0x7b: {  	_ =	shalt  }
0x7c: {  	_ =	shalt  }
0x7d: {  	_ =	shalt  }
0x7e: {  	_ =	shalt  }
0x7f: {  	_ =	shalt  }
0x80: {  	_ =	shalt  }
0x81: {  	_ =	shalt  }
0x82: {  	_ =	shalt  }
0x83: {  	_ =	shalt  }
0x84: {  	_ =	shalt  }
0x85: {  	_ =	shalt  }
0x86: {  	_ =	shalt  }
0x87: {  	_ =	shalt  }
.Lfunc_end0:
.L_simem_size_0:
called_computation_lowered:
.L_overlay_start_0:
0x88: {  	s2 =	sld [smem:$0x3FD9]  }
0x89: {  	s3 =	sld [smem:$0x3FFE];
	_ =	sdelay $0x1  }
0x8a: {  	s1 =	srdreg.scid  }
0x8b: {  	s0 =	sand.u32 $0x1, s1  }
0x8c: {  	s17 =	sshll.u32 s0, $0xA;
	s2 =	sadd.s32 s3, s2  }
0x8d: {  	s2 =	sadd.s32 s2, s17  }
0x8e: {  	[smem:$0x3FC3] =	sst s2  }
0x8f: {  	_ = 	snop  }
0x90: {  	s2 =	sld [smem:$0x3FC9]  }
0x91: {  	s18 =	sld [smem:$0x3FC8]  }
0x92: {  	s4 =	sld [smem:$0x3FC6]  }
0x93: {  	s5 =	sld [smem:$0x3FC5];
	(tm) =	ssettm $0x1  }
0x94: {  	s6 =	sld [smem:$0x3FFB];
	_ =	sdelay $0x3  }
0x95: {  	_ =	strace s6  }
0x96: {  	s6 =	sld [smem:$0x3FFC];
	_ =	sdelay $0x3  }
0x97: {  	_ =	strace s6  }
0x98: {  	s6 =	sld [smem:$0x3FFD];
	_ =	sdelay $0x3  }
0x99: {  	_ =	strace s6  }
0x9a: {  	_ =	strace $0x8FFFFFFF  }
0x9b: {  	s19 =	sld [smem:$0x3FDB];
	_ =	sdelay $0x1  }
0x9c: {  	s7 =	simm.s32 $_scs_section_size  }
0x9d: {  	s8 =	simm.s32 $_size__tile_overlayer_lowered;
	s9 =	simm.s32 $_tile_overlayer_lowered  }
0x9e: {  	s22 =	simm.s32 $0x1BFF;
	s21 =	sshll.u32 s9, $0x1;
	s6 =	sadd.s32 s7, s19  }
0x9f: {  	s10 =	simm.s32 $0x0;
	s20 =	sshll.u32 s8, $0x1;
	s8 =	sadd.s32 s21, s6  }
0xa0: {  	[timem:s10], [sflag:s22] =	dma.local [hbm:s8], s20  }
0xa1: {  	_ =	swait.ge [sflag:s22], s20  }
0xa2: {  	s7 =	ssub.s32 $0x0, s20;
	[sflag:s22] =	ssyncset.done $0x0  }
0xa3: {  	[sflag:s22] =	ssyncadd.s32 s7;
	_ =	sdelay $0x1  }
0xa4: {  	s23 =	simm.s32 $0x1B8B  }
0xa5: {  	_ =	swait.ge [sflag:s23], $0x1  }
0xa6: {  	[sflag:s23] =	ssyncset.done $0x0  }
0xa7: {  	s25 =	simm.s32 $0x1B8E;
	s24 =	sld [smem:$0x3FFE];
	[sflag:s23] =	ssyncadd.s32 $0xFFFFFFFF  }
0xa8: {  	s26 =	simm.s32 $execute0_lowered;
	[smem:$0x3FD2] =	sst s25  }
0xa9: {  	s8 =	sshll.u32 s26, $0x1;
	_ =	strace $0x80000046;
	[dreg:$0x1] =	wrdreg $0xFFFFFFFF  }
0xaa: {  	s28 =	simm.s32 $_size_execute0_lowered;
	s6 =	sadd.s32 s6, s8;
	[dreg:$0x0] =	wrdreg $0x0  }
0xab: {  	s8 =	sshll.u32 s28, $0x1;
	[dreg:$0x2] =	wrdreg s6  }
0xac: {  	[dreg:$0x3] =	wrdreg s8  }
0xad: {  	[dreg:$0x4] =	wrdreg $0xC0  }
0xae: {  	_ =	task [dreg:s10], $0x5FFFF  }
0xaf: {  	[dreg:$0x1] =	wrdreg $0xFFFFFFFF  }
0xb0: {  	[dreg:$0x0] =	wrdreg $0x60  }
0xb1: {  	[dreg:$0x2] =	wrdreg s2  }
0xb2: {  	[dreg:$0x3] =	wrdreg s18  }
0xb3: {  	[dreg:$0x4] =	wrdreg s4  }
0xb4: {  	[dreg:$0x5] =	wrdreg s5  }
0xb5: {  	[dreg:$0x6] =	wrdreg s24  }
0xb6: {  	[dreg:$0x7] =	wrdreg $0x9  }
0xb7: {  	_ =	task.clear_ibuf [dreg:s10], $0x8FFFF;
	_ =	strace $0x90000046  }
0xb8: {  	s29 =	simm.s32 $0x9;
	_ =	strace $0x80000048  }
0xb9: {  	_ =	swait.ge [sflag:s29], $0x1  }
0xba: {  	[sflag:s29] =	ssyncadd.s32 $0xFFFFFFFF  }
0xbb: {  	_ =	strace $0x90000048  }
0xbc: {  	_ =	sfence  }
0xbd: {  	s30 =	sld [smem:$0x0];
	_ =	sdelay $0x2  }
0xbe: {  	s31 =	sshll.u32 s1, $0xD;
	s1 =	sshrl.u32 s1, $0x2  }
0xbf: {  	s3 =	sand.u32 $0x4000, s31;
	s1 =	sadd.s32 s1, s30  }
0xc0: {  	s0 =	sor.u32 s3, s0;
	s1 =	sshll.u32 s1, $0x11  }
0xc1: {  	s0 =	sor.u32 s1, s0  }
0xc2: {  	s0 =	sadd.s32 $0x8F2B, s0  }
0xc3: {  	[sflag:s0] =	ssyncadd.remote.s32 $0x1  }
0xc4: {  	_ =	sfence.sel $0xFFFF  }
0xc5: {  	[dreg:$0x0] =	wrdreg $0xFFFFFFFF;
	(pc) =	sbr.abs _section_cstart, $3  }
0xc6: {  	[dreg:$0x1] =	wrdreg $0xFFFFFFFF  }
0xc7: {  	_ =	task.clear_ibuf [dreg:s10], $0x2FFFF;
	_ =	strace $0x9FFFFFFF  }
0xc8: {  	(tm) =	ssettm $0x7FFFFFFF  }
0xc9: {  	_ =	shalt  }
tec
execute0_lowered:
.L_overlay_start_1:
0x0: {  	(tag) =	ssettag $0x1  }
0x1: {  	s0 =	rddreg [dreg:$0x0]  }
0x2: {  	s1 =	rddreg [dreg:$0x1]  }
0x3: {  	s4 =	rddreg [dreg:$0x2]  }
0x4: {  	s5 =	rddreg [dreg:$0x3];
	s2 =	srdreg.scid  }
0x5: {  	s8 =	rddreg [dreg:$0x4];
	s3 =	stileid.u32;
	s6 =	simm.s32 $0x0  }
0x6: {  	s12 =	simm.s32 $0x2000;
	s13 =	simm.s32 $0xA000;
	s14 =	simm.s32 $0x1  }
0x7: {  	s15 =	simm.s32 $0x12000;
	s16 =	simm.s32 $0x0;
	s9 =	sand.u32 $0x1, s2  }
0x8: {  	s2 =	rddreg [dreg:$0x5];
	s7 =	sshll.u32 s3, $0x6;
	s10 =	sshll.u32 s9, $0x5  }
0x9: {  	[smem:$0x7FF] =	sst s6;
	s9 =	ssub.s32 $0x2, s9;
	s7 =	sor.u32 s10, s7  }
0xa: {  	_ =	strace $0x80000047;
	s11 =	sshrl.u32 s9, $0x1;
	s10 =	sshll.u32 s7, $0x4  }
0xb: {  	s9 =	ssub.s32 s9, s11;
	s11 =	simm.s32 $0x1000;
	s8 =	sadd.s32 s10, s8  }
0xc: {  	s9 =	smax.u32 s9, $0x1;
	s10 =	simm.s32 $0x2;
	s8 =	sadd.s32 $0xE00, s8  }
.LBB2_1:
0xd: {  	[tilespmem:s6], [sflag:$0x2] =	stream.linear.gather [hbm4b:s4+s6], $0x1000, $0x38;
	[tilespmem:$0x13000] =	vst v63  }
0xe: {  	_ =	swait.ge [sflag:s10], $0x1000  }
0xf: {  	[sflag:s10] =	ssyncset.done $0x0  }
0x10: {  	[sflag:s10] =	ssyncadd.s32 $0xFFFFF000  }
0x11: {  	[tilespmem:s11], [sflag:$0x2] =	stream.linear.gather [hbm4b:s5+s6], $0x1000, $0x38;
	[tilespmem:$0x13000] =	vst v63  }
0x12: {  	_ =	swait.ge [sflag:s10], $0x1000  }
0x13: {  	[sflag:s10] =	ssyncset.done $0x0  }
0x14: {  	s17 =	simm.s32 $0x0;
	[sflag:s10] =	ssyncadd.s32 $0xFFFFF000  }
.LBB2_2:
0x15: {  	s18 =	sshll.u32 s17, $0x3  }
0x16: {  	s19 =	sor.u32 s7, s18  }
0x17: {  	s20 =	sshll.u32 s19, $0x9  }
0x18: {  	s19 =	simm.s32 $0x0;
	s21 =	sadd.s32 s0, s20  }
0x19: {  	[tilespmem:s12], [sflag:$0x1] =	stream.linear.gather [hbm4b:s21+s19], $0x8000, $0x38;
	[tilespmem:$0x13000] =	vst v63  }
0x1a: {  	s20 =	sadd.s32 s1, s20  }
0x1b: {  	[tilespmem:s13], [sflag:$0x1] =	stream.linear.gather [hbm4b:s20+s19], $0x8000, $0x38;
	[tilespmem:$0x13000] =	vst v63  }
0x1c: {  	_ =	swait.ge [sflag:s14], $0x8000  }
0x1d: {  	[sflag:s14] =	ssyncset.done $0x0  }
0x1e: {  	[sflag:s14] =	ssyncadd.s32 $0xFFFF8000  }
0x1f: {  	_ =	swait.ge [sflag:s14], $0x8000  }
0x20: {  	[sflag:s14] =	ssyncset.done $0x0  }
0x21: {  	s21 =	simm.s32 $0xA040;
	s20 =	simm.s32 $0x2040;
	[sflag:s14] =	ssyncadd.s32 $0xFFFF8000  }
.LBB2_3:
0x22: {  	s23 =	simm.s32 $0x40;
	v0 =	vld [tilespmem:s20+$0xFFFFFFC0]  }
0x23: {  	v1 =	vld [tilespmem:s23+$0xFFFFFFC0]  }
0x24: {  	v2 =	vld [tilespmem:s20+$0xFFFFFFD0]  }
0x25: {  	v3 =	vld [tilespmem:s23+$0xFFFFFFD0]  }
0x26: {  	v5 =	vld [tilespmem:s20+$0xFFFFFFE0]  }
0x27: {  	v6 =	vld [tilespmem:s23+$0xFFFFFFE0]  }
0x28: {  	v7 =	vld [tilespmem:s20+$0xFFFFFFF0];
	v1 =	vmul.f32 v1, v0  }
0x29: {  	v8 =	vld [tilespmem:s23+$0xFFFFFFF0];
	v0 =	vimm.f32 $0.0e+00  }
0x2a: {  	v9 =	vld [tilespmem:s20+$0x0];
	v2 =	vmul.f32 v3, v2;
	v1 =	vadd.f32 v1, v0  }
0x2b: {  	v3 =	vld [tilespmem:s23+$0x0]  }
0x2c: {  	v4 =	vld [tilespmem:s20+$0x10];
	v5 =	vmul.f32 v6, v5;
	v1 =	vadd.f32 v2, v1  }
0x2d: {  	v6 =	vld [tilespmem:s23+$0x10]  }
0x2e: {  	v7 =	vmul.f32 v8, v7;
	v2 =	vld [tilespmem:s20+$0x20];
	v10 =	vadd.f32 v5, v1  }
0x2f: {  	v5 =	vld [tilespmem:s23+$0x20]  }
0x30: {  	v8 =	vmul.f32 v3, v9;
	v3 =	vld [tilespmem:s23+$0x30];
	v7 =	vadd.f32 v7, v10  }
0x31: {  	s24 =	simm.s32 $0x0;
	s25 =	sadd.s32 $0x400, s20;
	v1 =	vld [tilespmem:s20+$0x30]  }
.LBB2_4:
0x32: {  	v9 =	vld [tilespmem:s25+$0xFFFFFFC0];
	v7 =	vadd.f32 v8, v7;
	v4 =	vmul.f32 v6, v4;
	s23 =	sadd.s32 $0x80, s23  }
0x33: {  	s24 =	sadd.s32 $0x8, s24;
	v6 =	vld [tilespmem:s23+$0xFFFFFFC0]  }
0x34: {  	p0 =	slt.u32 s24, $0xF8;
	v8 =	vld [tilespmem:s25+$0xFFFFFFD0];
	v4 =	vadd.f32 v4, v7;
	v2 =	vmul.f32 v5, v2  }
0x35: {  	v5 =	vld [tilespmem:s23+$0xFFFFFFD0]  }
0x36: {  	v7 =	vld [tilespmem:s25+$0xFFFFFFE0];
	v2 =	vadd.f32 v2, v4;
	v1 =	vmul.f32 v3, v1  }
0x37: {  	v3 =	vld [tilespmem:s23+$0xFFFFFFE0]  }
0x38: {  	s22 =	simm.s32 $0x1040;
	v4 =	vmul.f32 v6, v9;
	v9 =	vld [tilespmem:s25+$0xFFFFFFF0];
	v1 =	vadd.f32 v1, v2  }
0x39: {  	v2 =	vld [tilespmem:s23+$0xFFFFFFF0]  }
0x3a: {  	v1 =	vadd.f32 v4, v1;
	v4 =	vmul.f32 v5, v8;
	v8 =	vld [tilespmem:s25+$0x0]  }
0x3b: {  	v10 =	vld [tilespmem:s23+$0x0]  }
0x3c: {  	v1 =	vadd.f32 v4, v1;
	v3 =	vmul.f32 v3, v7;
	v4 =	vld [tilespmem:s25+$0x10]  }
.Ltmp0:
0x3d: {  	v6 =	vld [tilespmem:s23+$0x10];
	(pc) =	sbr.rel @p0 .LBB2_4-.Ltmp0, $4  }
0x3e: {  	v1 =	vadd.f32 v3, v1;
	v3 =	vmul.f32 v2, v9;
	v2 =	vld [tilespmem:s25+$0x20]  }
0x3f: {  	v5 =	vld [tilespmem:s23+$0x20]  }
0x40: {  	v7 =	vadd.f32 v3, v1;
	v8 =	vmul.f32 v10, v8;
	v1 =	vld [tilespmem:s25+$0x30]  }
0x41: {  	s25 =	sadd.s32 $0x400, s25;
	v3 =	vld [tilespmem:s23+$0x30]  }
0x42: {  	v9 =	vld [tilespmem:s21+$0xFFFFFFC0]  }
0x43: {  	v10 =	vld [tilespmem:s22+$0xFFFFFFC0]  }
0x44: {  	v11 =	vld [tilespmem:s21+$0xFFFFFFD0]  }
0x45: {  	v12 =	vld [tilespmem:s22+$0xFFFFFFD0]  }
0x46: {  	v13 =	vld [tilespmem:s21+$0xFFFFFFE0]  }
0x47: {  	v14 =	vld [tilespmem:s22+$0xFFFFFFE0]  }
0x48: {  	v15 =	vld [tilespmem:s21+$0xFFFFFFF0];
	v9 =	vmul.f32 v10, v9  }
0x49: {  	v7 =	vadd.f32 v8, v7;
	v4 =	vmul.f32 v6, v4;
	v10 =	vld [tilespmem:s22+$0xFFFFFFF0]  }
0x4a: {  	v6 =	vld [tilespmem:s21+$0x0];
	v8 =	vmul.f32 v12, v11;
	v0 =	vadd.f32 v9, v0  }
0x4b: {  	v4 =	vadd.f32 v4, v7;
	v7 =	vmul.f32 v5, v2;
	v9 =	vld [tilespmem:s22+$0x0]  }
0x4c: {  	v2 =	vld [tilespmem:s21+$0x10];
	v0 =	vadd.f32 v8, v0;
	v8 =	vmul.f32 v14, v13  }
0x4d: {  	v5 =	vld [tilespmem:s22+$0x10];
	v7 =	vadd.f32 v7, v4  }
0x4e: {  	v4 =	vld [tilespmem:s21+$0x20];
	v11 =	vmul.f32 v3, v1;
	v10 =	vmul.f32 v10, v15;
	v8 =	vadd.f32 v8, v0  }
0x4f: {  	v3 =	vld [tilespmem:s22+$0x20]  }
0x50: {  	v1 =	vld [tilespmem:s21+$0x30];
	v0 =	vadd.f32 v11, v7;
	v7 =	vadd.f32 v10, v8;
	v8 =	vmul.f32 v9, v6  }
0x51: {  	s23 =	simm.s32 $0x0;
	s24 =	sadd.s32 $0x400, s21;
	v6 =	vld [tilespmem:s22+$0x30]  }
.LBB2_6:
0x52: {  	v9 =	vld [tilespmem:s24+$0xFFFFFFC0];
	v7 =	vadd.f32 v8, v7;
	v2 =	vmul.f32 v5, v2;
	s22 =	sadd.s32 $0x80, s22  }
0x53: {  	s23 =	sadd.s32 $0x8, s23;
	v5 =	vld [tilespmem:s22+$0xFFFFFFC0]  }
0x54: {  	p0 =	slt.u32 s23, $0xF8;
	v8 =	vld [tilespmem:s24+$0xFFFFFFD0];
	v2 =	vadd.f32 v2, v7;
	v3 =	vmul.f32 v3, v4  }
0x55: {  	v4 =	vld [tilespmem:s22+$0xFFFFFFD0]  }
0x56: {  	v7 =	vld [tilespmem:s24+$0xFFFFFFE0];
	v2 =	vadd.f32 v3, v2;
	v1 =	vmul.f32 v6, v1  }
0x57: {  	v3 =	vld [tilespmem:s22+$0xFFFFFFE0]  }
0x58: {  	v5 =	vmul.f32 v5, v9;
	v6 =	vld [tilespmem:s24+$0xFFFFFFF0];
	v1 =	vadd.f32 v1, v2  }
0x59: {  	v9 =	vld [tilespmem:s22+$0xFFFFFFF0]  }
0x5a: {  	v1 =	vadd.f32 v5, v1;
	v2 =	vmul.f32 v4, v8;
	v8 =	vld [tilespmem:s24+$0x0]  }
0x5b: {  	v10 =	vld [tilespmem:s22+$0x0]  }
0x5c: {  	v1 =	vadd.f32 v2, v1;
	v3 =	vmul.f32 v3, v7;
	v2 =	vld [tilespmem:s24+$0x10]  }
.Ltmp1:
0x5d: {  	v5 =	vld [tilespmem:s22+$0x10];
	(pc) =	sbr.rel @p0 .LBB2_6-.Ltmp1, $4  }
0x5e: {  	v1 =	vadd.f32 v3, v1;
	v6 =	vmul.f32 v9, v6;
	v4 =	vld [tilespmem:s24+$0x20]  }
0x5f: {  	v3 =	vld [tilespmem:s22+$0x20]  }
0x60: {  	v7 =	vadd.f32 v6, v1;
	v8 =	vmul.f32 v10, v8;
	v1 =	vld [tilespmem:s24+$0x30]  }
0x61: {  	s24 =	sadd.s32 $0x400, s24;
	v6 =	vld [tilespmem:s22+$0x30]  }
0x62: {  	v7 =	vadd.f32 v8, v7;
	v2 =	vmul.f32 v5, v2;
	_ =	sdelay $0x1  }
0x63: {  	v2 =	vadd.f32 v2, v7;
	v3 =	vmul.f32 v3, v4;
	_ =	sdelay $0x1  }
0x64: {  	s22 =	sadd.s32 s18, s19;
	s19 =	sadd.s32 $0x1, s19;
	v2 =	vadd.f32 v3, v2;
	v1 =	vmul.f32 v6, v1  }
0x65: {  	p0 =	sne.s32 s19, $0x8  }
.Ltmp2:
0x66: {  	v1 =	vadd.f32 v1, v2;
	(pc) =	sbr.rel @p0 .LBB2_3-.Ltmp2, $4  }
0x67: {  	_ = 	snop  }
0x68: {  	s22 =	sshll.u32 s22, $0x7;
	v0 =	vadd.f32 v1, v0  }
0x69: {  	s22 =	sand.u32 $0x3FFFFF80, s22  }
0x6a: {  	s20 =	sadd.s32 $0x80, s20;
	s21 =	sadd.s32 $0x80, s21;
	[tilespmem:s22+$0x12000] =	vst v0  }
0x6b: {  	s17 =	sadd.s32 $0x1, s17  }
0x6c: {  	p0 =	sne.s32 s17, $0x4  }
.Ltmp3:
0x6d: {  	_ = 	snop;
	(pc) =	sbr.rel @p0 .LBB2_2-.Ltmp3, $1  }
0x6e: {  	_ =	sdelay $0x3  }
0x6f: {  	s16 =	sadd.s32 $0x1, s16  }
0x70: {  	p0 =	sne.s32 s16, s9  }
.Ltmp4:
0x71: {  	_ = 	snop;
	(pc) =	sbr.rel @p0 .LBB2_1-.Ltmp4, $4  }
0x72: {  	[hbm4b:s8+s6] =	stream.linear.scatter [tilespmem:s15], [sflag:$0x2], $0x1000, $0x38;
	[tilespmem:$0x13000] =	vst v63  }
0x73: {  	_ =	swait.ge [sflag:s10], $0x1000  }
0x74: {  	[sflag:s10] =	ssyncset.done $0x0  }
0x75: {  	[sflag:s10] =	ssyncadd.s32 $0xFFFFF000  }
0x76: {  	_ =	sfence.sel $0x180000  }
0x77: {  	[bflag:$0x0] =	sbarrier.arrive $0xFFFF  }
0x78: {  	p0 =	sne.s32 s3, $0x0;
	_ =	strace $0x90000047  }
0x79: {  	s0 =	sadd.s32 @!p0 $0x100000, s2;
	[bflag:$0x2] =	sbarrier.arrive $0xFFFF  }
0x7a: {  	[sflag:s0] =	ssyncadd.tile.s32 @!p0 $0x1;
	_ =	shalt  }
.Lfunc_end2:
_tile_overlayer_lowered:
.L_overlay_start_2:
0x7b: {  	(tag) =	ssettag $0x2  }
0x7c: {  	s0 =	rddreg [dreg:$0x0];
	s2 =	stileid.u32  }
0x7d: {  	s1 =	rddreg [dreg:$0x1];
	p0 =	sne.s32 s2, $0x0  }
0x7e: {  	s3 =	rddreg [dreg:$0x2];
	[bflag:$0x3] =	sbarrier.arrive $0xFFFF;
	s2 =	simm.s32 @!p0 $0x1C02  }
0x7f: {  	[timem:s3], [sflag:s2] =	dma.local @!p0 [hbm:s0], s1  }
0x80: {  	s0 =	simm.s32 @!p0 $0x2  }
0x81: {  	_ =	swait.ge @!p0 [sflag:s0], s1  }
0x82: {  	s1 =	ssub.s32 @!p0 $0x0, s1;
	[sflag:s0] =	ssyncset.done @!p0 $0x0  }
0x83: {  	[sflag:s0] =	ssyncadd.s32 @!p0 s1  }
0x84: {  	[bflag:$0x3] =	sbarrier.arrive $0xFFFF  }
0x85: {  	_ =	shalt  }

</sc_bundles>
